<compile_context>
chip_gen: v7x
topology: tpu7x:2x2x1
jax: 0.10.2.dev20260603
libtpu: 0.0.44.dev20260713+nightly
codegen_flags: <defaults>
</compile_context>

<pallas_src>
import functools

import jax
import jax.numpy as jnp
from jax import lax
from jax.experimental import pallas as pl
from jax.experimental.pallas import tpu as pltpu
from jax.experimental.pallas import tpu_sc as plsc

_D = 128
_B = 1024
_H = 200
_TOTAL = _B * _H
_NC = 2
_NS = 16
_NW = _NC * _NS
_PER_W = _TOTAL // _NW
_CHUNK = 128
_SUP = 2
_SCHUNK = _SUP * _CHUNK
_NSUP = _PER_W // _SCHUNK

_mesh = plsc.VectorSubcoreMesh(core_axis_name="c", subcore_axis_name="s")


@functools.partial(
    pl.kernel,
    mesh=_mesh,
    out_type=jax.ShapeDtypeStruct((_TOTAL, _D), jnp.float32),
    scratch_types=(
        [pltpu.VMEM((_NSUP * _SUP, _CHUNK), jnp.int32)]
        + [pltpu.VMEM((_SCHUNK, _D), jnp.float32) for _ in range(2)]
        + [pltpu.SemaphoreType.DMA for _ in range(4)]
    ),
)
def _gather_kernel(table_hbm, idx_hbm, out_hbm, idx_v, *scratch):
    bufs = scratch[:2]
    gsem = scratch[2:4]
    wsem = scratch[4:]

    wid = lax.axis_index("s") * _NC + lax.axis_index("c")
    base = wid * _PER_W

    pltpu.sync_copy(idx_hbm.at[wid], idx_v)

    def gather(J, b):
        for h in range(_SUP):
            pltpu.async_copy(table_hbm.at[idx_v.at[_SUP * J + h]],
                             bufs[b].at[pl.ds(h * _CHUNK, _CHUNK)], gsem[b])

    def gather_wait(b):
        for h in range(_SUP):
            pltpu.make_async_copy(table_hbm.at[idx_v.at[0]],
                                  bufs[b].at[pl.ds(h * _CHUNK, _CHUNK)],
                                  gsem[b]).wait()

    def put(J, b):
        pltpu.async_copy(bufs[b], out_hbm.at[pl.ds(base + J * _SCHUNK, _SCHUNK)],
                         wsem[b])

    def put_wait(b):
        pltpu.make_async_copy(bufs[b], out_hbm.at[pl.ds(base, _SCHUNK)],
                              wsem[b]).wait()

    gather(0, 0)
    gather(1, 1)

    def body(i, carry):
        j0 = 2 * i
        gather_wait(0)
        put(j0, 0)

        @pl.when(j0 + 2 < _NSUP)
        def _():
            put_wait(0)
            gather(j0 + 2, 0)

        gather_wait(1)
        put(j0 + 1, 1)

        @pl.when(j0 + 3 < _NSUP)
        def _():
            put_wait(1)
            gather(j0 + 3, 1)

        return carry

    lax.fori_loop(0, _NSUP // 2, body, 0)

    gather_wait(0)
    put(_NSUP - 1, 0)
    put_wait(0)
    put_wait(1)


def kernel(input_, item_table):
    idx = input_.reshape(-1).astype(jnp.int32).reshape(_NW, _NSUP * _SUP, _CHUNK)
    out = _gather_kernel(item_table, idx)
    return out.reshape(_B, _H, _D)

# --- scband reference (transcript-rebuilt; emitter-appended) ---
"""Pipeline reference for scband-multi-embedding-11020886081538 (READ-ONLY COPY).

The authoritative reference and input builder live on the scoring server;
editing this copy changes nothing except your own understanding.
"""

import jax, jax.numpy as jnp
import numpy as np

VOCAB = 100000
EMBED_DIM = 128
BATCH = 1024
HIST = 200

def setup_inputs(seed: int = 0) -> dict:
    key = jax.random.key(seed)
    k1, k2 = jax.random.split(key)
    input_ = jax.random.randint(k1, (BATCH, HIST), 0, VOCAB, dtype=jnp.int64)
    # learned parameter: the 'item' embedding table of the MultiEmbedding
    item_table = jax.random.normal(k2, (VOCAB, EMBED_DIM), dtype=jnp.float32)
    return {"input_": input_, "item_table": item_table}

def reference(input_, item_table):
    # MultiEmbedding.forward(input_, name='item') -> self.item(input_)
    # nn.Embedding lookup == row gather from the table
    return jnp.take(item_table, input_, axis=0)

if __name__ == "__main__":
    import jax
    _d = setup_inputs()
    print(jax.jit(kernel)(*tuple(_d.values())))

</pallas_src>

<mosaic_0001>
#map = affine_map<(d0, d1) -> (0, 0)>
#map1 = affine_map<(d0, d1) -> (0, 0, 0)>
module attributes {stable_mosaic.version = 14 : i64} {
  func.func @_gather_kernel(%arg0: i32, %arg1: i32, %arg2: memref<100000x128xf32, #tpu.memory_space<hbm>>, %arg3: memref<32x50x128xi32, #tpu.memory_space<hbm>>, %arg4: memref<204800x128xf32, #tpu.memory_space<hbm>>, %arg5: memref<50x128xi32, #tpu.memory_space<vmem>>, %arg6: memref<256x128xf32, #tpu.memory_space<vmem>>, %arg7: memref<256x128xf32, #tpu.memory_space<vmem>>, %arg8: memref<!tpu.dma_semaphore, #tpu.memory_space<semaphore_mem>>, %arg9: memref<!tpu.dma_semaphore, #tpu.memory_space<semaphore_mem>>, %arg10: memref<!tpu.dma_semaphore, #tpu.memory_space<semaphore_mem>>, %arg11: memref<!tpu.dma_semaphore, #tpu.memory_space<semaphore_mem>>) attributes {dimension_semantics = [#tpu.dimension_semantics<core_parallel>, #tpu.dimension_semantics<subcore_parallel>], iteration_bounds = array<i64: 2, 16>, scalar_prefetch = 0 : i64, scratch_operands = 7 : i64, tpu.core_type = #tpu.core_type<sc_vector_subcore>, window_params = [{transform_indices = #map}, {transform_indices = #map1}, {transform_indices = #map}]} {
    %mul3A = arith.constant 2 : i32
    %mul3A_0 = arith.muli %arg1, %mul3A : i32
    %add3A = arith.addi %mul3A_0, %arg0 : i32
    %mul3A_1 = arith.constant 6400 : i32
    %mul3A_2 = arith.muli %add3A, %mul3A_1 : i32
    "tpu.region"() ({
      %run_scoped3A = tpu.sem_alloc : memref<!tpu.dma_semaphore, #tpu.memory_space<semaphore_mem>>
      %dma_start3A_80 = arith.constant 0 : i32
      %dma_start3A_81 = arith.constant 0 : i32
      %dma_start3A_82 = tpu.memref_slice %arg3[%add3A, %dma_start3A_80, %dma_start3A_81] : memref<32x50x128xi32, #tpu.memory_space<hbm>> -> memref<1x50x128xi32, #tpu.memory_space<hbm>>
      %dma_start3A_83 = tpu.memref_squeeze %dma_start3A_82 : memref<1x50x128xi32, #tpu.memory_space<hbm>> -> memref<50x128xi32, #tpu.memory_space<hbm>>
      %dma_start3A_84 = arith.constant 0 : i32
      %dma_start3A_85 = arith.constant 0 : i32
      %dma_start3A_86 = tpu.memref_slice %arg3[%add3A, %dma_start3A_84, %dma_start3A_85] : memref<32x50x128xi32, #tpu.memory_space<hbm>> -> memref<1x50x128xi32, #tpu.memory_space<hbm>>
      %dma_start3A_87 = tpu.memref_squeeze %dma_start3A_86 : memref<1x50x128xi32, #tpu.memory_space<hbm>> -> memref<50x128xi32, #tpu.memory_space<hbm>>
      tpu.enqueue_dma source(%dma_start3A_87 : memref<50x128xi32, #tpu.memory_space<hbm>>) target(%arg5 : memref<50x128xi32, #tpu.memory_space<vmem>>) target_semaphore(%run_scoped3A : memref<!tpu.dma_semaphore, #tpu.memory_space<semaphore_mem>>)
      %dma_wait3A_88 = arith.constant 0 : i32
      %dma_wait3A_89 = arith.constant 0 : i32
      %dma_wait3A_90 = tpu.memref_slice %arg3[%add3A, %dma_wait3A_88, %dma_wait3A_89] : memref<32x50x128xi32, #tpu.memory_space<hbm>> -> memref<1x50x128xi32, #tpu.memory_space<hbm>>
      %dma_wait3A_91 = tpu.memref_squeeze %dma_wait3A_90 : memref<1x50x128xi32, #tpu.memory_space<hbm>> -> memref<50x128xi32, #tpu.memory_space<hbm>>
      %dma_wait3A_92 = arith.constant 0 : i32
      %dma_wait3A_93 = arith.constant 0 : i32
      %dma_wait3A_94 = tpu.memref_slice %arg3[%add3A, %dma_wait3A_92, %dma_wait3A_93] : memref<32x50x128xi32, #tpu.memory_space<hbm>> -> memref<1x50x128xi32, #tpu.memory_space<hbm>>
      %dma_wait3A_95 = tpu.memref_squeeze %dma_wait3A_94 : memref<1x50x128xi32, #tpu.memory_space<hbm>> -> memref<50x128xi32, #tpu.memory_space<hbm>>
      tpu.wait_dma2 semaphore(%run_scoped3A : memref<!tpu.dma_semaphore, #tpu.memory_space<semaphore_mem>>) src(%dma_wait3A_95 : memref<50x128xi32, #tpu.memory_space<hbm>>) dst(%arg5 : memref<50x128xi32, #tpu.memory_space<vmem>>)
      tpu.yield
    }) : () -> ()
    %dma_start3A = arith.constant 0 : i32
    %dma_start3A_3 = arith.constant 0 : i32
    %dma_start3A_4 = arith.constant 0 : i32
    %dma_start3A_5 = tpu.memref_slice %arg6[%dma_start3A_3, %dma_start3A_4] : memref<256x128xf32, #tpu.memory_space<vmem>> -> memref<128x128xf32, #tpu.memory_space<vmem>>
    %dma_start3A_6 = arith.constant 0 : i32
    %dma_start3A_7 = tpu.memref_slice %arg5[%dma_start3A, %dma_start3A_6] : memref<50x128xi32, #tpu.memory_space<vmem>> -> memref<1x128xi32, #tpu.memory_space<vmem>>
    %dma_start3A_8 = tpu.memref_squeeze %dma_start3A_7 : memref<1x128xi32, #tpu.memory_space<vmem>> -> memref<128xi32, #tpu.memory_space<vmem>>
    %dma_start3A_9 = arith.constant 0 : i32
    %dma_start3A_10 = arith.constant 0 : i32
    %dma_start3A_11 = tpu.memref_slice %arg2[%dma_start3A_9, %dma_start3A_10] : memref<100000x128xf32, #tpu.memory_space<hbm>> -> memref<100000x128xf32, #tpu.memory_space<hbm>>
    tpu.enqueue_indirect_dma source(%dma_start3A_11 : memref<100000x128xf32, #tpu.memory_space<hbm>>) target(%dma_start3A_5 : memref<128x128xf32, #tpu.memory_space<vmem>>) offsets(%dma_start3A_8 : memref<128xi32, #tpu.memory_space<vmem>>) semaphore(%arg8 : memref<!tpu.dma_semaphore, #tpu.memory_space<semaphore_mem>>)
    %dma_start3A_12 = arith.constant 1 : i32
    %dma_start3A_13 = arith.constant 128 : i32
    %dma_start3A_14 = arith.constant 0 : i32
    %dma_start3A_15 = tpu.memref_slice %arg6[%dma_start3A_13, %dma_start3A_14] : memref<256x128xf32, #tpu.memory_space<vmem>> -> memref<128x128xf32, #tpu.memory_space<vmem>>
    %dma_start3A_16 = arith.constant 0 : i32
    %dma_start3A_17 = tpu.memref_slice %arg5[%dma_start3A_12, %dma_start3A_16] : memref<50x128xi32, #tpu.memory_space<vmem>> -> memref<1x128xi32, #tpu.memory_space<vmem>>
    %dma_start3A_18 = tpu.memref_squeeze %dma_start3A_17 : memref<1x128xi32, #tpu.memory_space<vmem>> -> memref<128xi32, #tpu.memory_space<vmem>>
    %dma_start3A_19 = arith.constant 0 : i32
    %dma_start3A_20 = arith.constant 0 : i32
    %dma_start3A_21 = tpu.memref_slice %arg2[%dma_start3A_19, %dma_start3A_20] : memref<100000x128xf32, #tpu.memory_space<hbm>> -> memref<100000x128xf32, #tpu.memory_space<hbm>>
    tpu.enqueue_indirect_dma source(%dma_start3A_21 : memref<100000x128xf32, #tpu.memory_space<hbm>>) target(%dma_start3A_15 : memref<128x128xf32, #tpu.memory_space<vmem>>) offsets(%dma_start3A_18 : memref<128xi32, #tpu.memory_space<vmem>>) semaphore(%arg8 : memref<!tpu.dma_semaphore, #tpu.memory_space<semaphore_mem>>)
    %dma_start3A_22 = arith.constant 2 : i32
    %dma_start3A_23 = arith.constant 0 : i32
    %dma_start3A_24 = arith.constant 0 : i32
    %dma_start3A_25 = tpu.memref_slice %arg7[%dma_start3A_23, %dma_start3A_24] : memref<256x128xf32, #tpu.memory_space<vmem>> -> memref<128x128xf32, #tpu.memory_space<vmem>>
    %dma_start3A_26 = arith.constant 0 : i32
    %dma_start3A_27 = tpu.memref_slice %arg5[%dma_start3A_22, %dma_start3A_26] : memref<50x128xi32, #tpu.memory_space<vmem>> -> memref<1x128xi32, #tpu.memory_space<vmem>>
    %dma_start3A_28 = tpu.memref_squeeze %dma_start3A_27 : memref<1x128xi32, #tpu.memory_space<vmem>> -> memref<128xi32, #tpu.memory_space<vmem>>
    %dma_start3A_29 = arith.constant 0 : i32
    %dma_start3A_30 = arith.constant 0 : i32
    %dma_start3A_31 = tpu.memref_slice %arg2[%dma_start3A_29, %dma_start3A_30] : memref<100000x128xf32, #tpu.memory_space<hbm>> -> memref<100000x128xf32, #tpu.memory_space<hbm>>
    tpu.enqueue_indirect_dma source(%dma_start3A_31 : memref<100000x128xf32, #tpu.memory_space<hbm>>) target(%dma_start3A_25 : memref<128x128xf32, #tpu.memory_space<vmem>>) offsets(%dma_start3A_28 : memref<128xi32, #tpu.memory_space<vmem>>) semaphore(%arg9 : memref<!tpu.dma_semaphore, #tpu.memory_space<semaphore_mem>>)
    %dma_start3A_32 = arith.constant 3 : i32
    %dma_start3A_33 = arith.constant 128 : i32
    %dma_start3A_34 = arith.constant 0 : i32
    %dma_start3A_35 = tpu.memref_slice %arg7[%dma_start3A_33, %dma_start3A_34] : memref<256x128xf32, #tpu.memory_space<vmem>> -> memref<128x128xf32, #tpu.memory_space<vmem>>
    %dma_start3A_36 = arith.constant 0 : i32
    %dma_start3A_37 = tpu.memref_slice %arg5[%dma_start3A_32, %dma_start3A_36] : memref<50x128xi32, #tpu.memory_space<vmem>> -> memref<1x128xi32, #tpu.memory_space<vmem>>
    %dma_start3A_38 = tpu.memref_squeeze %dma_start3A_37 : memref<1x128xi32, #tpu.memory_space<vmem>> -> memref<128xi32, #tpu.memory_space<vmem>>
    %dma_start3A_39 = arith.constant 0 : i32
    %dma_start3A_40 = arith.constant 0 : i32
    %dma_start3A_41 = tpu.memref_slice %arg2[%dma_start3A_39, %dma_start3A_40] : memref<100000x128xf32, #tpu.memory_space<hbm>> -> memref<100000x128xf32, #tpu.memory_space<hbm>>
    tpu.enqueue_indirect_dma source(%dma_start3A_41 : memref<100000x128xf32, #tpu.memory_space<hbm>>) target(%dma_start3A_35 : memref<128x128xf32, #tpu.memory_space<vmem>>) offsets(%dma_start3A_38 : memref<128xi32, #tpu.memory_space<vmem>>) semaphore(%arg9 : memref<!tpu.dma_semaphore, #tpu.memory_space<semaphore_mem>>)
    %scan3A = arith.constant 0 : i32
    %scan3A_42 = arith.constant 0 : i32
    %scan3A_43 = arith.constant 12 : i32
    %scan3A_44 = arith.addi %scan3A_42, %scan3A_43 : i32
    %scan3A_45 = arith.constant 1 : i32
    scf.for %scan3A_80 = %scan3A_42 to %scan3A_44 step %scan3A_45  : i32 {
      %mul3A_81 = arith.constant 2 : i32
      %mul3A_82 = arith.muli %mul3A_81, %scan3A_80 : i32
      %dma_wait3A_83 = arith.constant 0 : i32
      %dma_wait3A_84 = arith.constant 0 : i32
      %dma_wait3A_85 = arith.constant 0 : i32
      %dma_wait3A_86 = tpu.memref_slice %arg6[%dma_wait3A_84, %dma_wait3A_85] : memref<256x128xf32, #tpu.memory_space<vmem>> -> memref<128x128xf32, #tpu.memory_space<vmem>>
      %dma_wait3A_87 = arith.constant 0 : i32
      %dma_wait3A_88 = tpu.memref_slice %arg5[%dma_wait3A_83, %dma_wait3A_87] : memref<50x128xi32, #tpu.memory_space<vmem>> -> memref<1x128xi32, #tpu.memory_space<vmem>>
      %dma_wait3A_89 = tpu.memref_squeeze %dma_wait3A_88 : memref<1x128xi32, #tpu.memory_space<vmem>> -> memref<128xi32, #tpu.memory_space<vmem>>
      %dma_wait3A_90 = arith.constant 0 : i32
      %dma_wait3A_91 = arith.constant 0 : i32
      %dma_wait3A_92 = tpu.memref_slice %arg2[%dma_wait3A_90, %dma_wait3A_91] : memref<100000x128xf32, #tpu.memory_space<hbm>> -> memref<100000x128xf32, #tpu.memory_space<hbm>>
      tpu.wait_indirect_dma semaphore(%arg8 : memref<!tpu.dma_semaphore, #tpu.memory_space<semaphore_mem>>) src(%dma_wait3A_92 : memref<100000x128xf32, #tpu.memory_space<hbm>>) dst(%dma_wait3A_86 : memref<128x128xf32, #tpu.memory_space<vmem>>)
      %dma_wait3A_93 = arith.constant 0 : i32
      %dma_wait3A_94 = arith.constant 128 : i32
      %dma_wait3A_95 = arith.constant 0 : i32
      %dma_wait3A_96 = tpu.memref_slice %arg6[%dma_wait3A_94, %dma_wait3A_95] : memref<256x128xf32, #tpu.memory_space<vmem>> -> memref<128x128xf32, #tpu.memory_space<vmem>>
      %dma_wait3A_97 = arith.constant 0 : i32
      %dma_wait3A_98 = tpu.memref_slice %arg5[%dma_wait3A_93, %dma_wait3A_97] : memref<50x128xi32, #tpu.memory_space<vmem>> -> memref<1x128xi32, #tpu.memory_space<vmem>>
      %dma_wait3A_99 = tpu.memref_squeeze %dma_wait3A_98 : memref<1x128xi32, #tpu.memory_space<vmem>> -> memref<128xi32, #tpu.memory_space<vmem>>
      %dma_wait3A_100 = arith.constant 0 : i32
      %dma_wait3A_101 = arith.constant 0 : i32
      %dma_wait3A_102 = tpu.memref_slice %arg2[%dma_wait3A_100, %dma_wait3A_101] : memref<100000x128xf32, #tpu.memory_space<hbm>> -> memref<100000x128xf32, #tpu.memory_space<hbm>>
      tpu.wait_indirect_dma semaphore(%arg8 : memref<!tpu.dma_semaphore, #tpu.memory_space<semaphore_mem>>) src(%dma_wait3A_102 : memref<100000x128xf32, #tpu.memory_space<hbm>>) dst(%dma_wait3A_96 : memref<128x128xf32, #tpu.memory_space<vmem>>)
      %mul3A_103 = arith.constant 256 : i32
      %mul3A_104 = arith.muli %mul3A_82, %mul3A_103 : i32
      %add3A_105 = arith.addi %mul3A_2, %mul3A_104 : i32
      %dma_start3A_106 = arith.constant 0 : i32
      %dma_start3A_107 = tpu.memref_slice %arg4[%add3A_105, %dma_start3A_106] : memref<204800x128xf32, #tpu.memory_space<hbm>> -> memref<256x128xf32, #tpu.memory_space<hbm>>
      %dma_start3A_108 = arith.constant 0 : i32
      %dma_start3A_109 = tpu.memref_slice %arg4[%add3A_105, %dma_start3A_108] : memref<204800x128xf32, #tpu.memory_space<hbm>> -> memref<256x128xf32, #tpu.memory_space<hbm>>
      tpu.enqueue_dma source(%arg6 : memref<256x128xf32, #tpu.memory_space<vmem>>) target(%dma_start3A_109 : memref<256x128xf32, #tpu.memory_space<hbm>>) target_semaphore(%arg10 : memref<!tpu.dma_semaphore, #tpu.memory_space<semaphore_mem>>)
      %add3A_110 = arith.constant 2 : i32
      %add3A_111 = arith.addi %mul3A_82, %add3A_110 : i32
      %lt3A = arith.constant 25 : i32
      %lt3A_112 = arith.cmpi slt, %add3A_111, %lt3A : i32
      %convert_element_type3A = arith.extui %lt3A_112 : i1 to i32
      %cond3A = arith.constant 0 : i32
      %cond3A_113 = arith.cmpi ne, %convert_element_type3A, %cond3A : i32
      scf.if %cond3A_113 {
        %dma_wait3A_150 = arith.constant 0 : i32
        %dma_wait3A_151 = tpu.memref_slice %arg4[%mul3A_2, %dma_wait3A_150] : memref<204800x128xf32, #tpu.memory_space<hbm>> -> memref<256x128xf32, #tpu.memory_space<hbm>>
        %dma_wait3A_152 = arith.constant 0 : i32
        %dma_wait3A_153 = tpu.memref_slice %arg4[%mul3A_2, %dma_wait3A_152] : memref<204800x128xf32, #tpu.memory_space<hbm>> -> memref<256x128xf32, #tpu.memory_space<hbm>>
        tpu.wait_dma2 semaphore(%arg10 : memref<!tpu.dma_semaphore, #tpu.memory_space<semaphore_mem>>) src(%arg6 : memref<256x128xf32, #tpu.memory_space<vmem>>) dst(%dma_wait3A_153 : memref<256x128xf32, #tpu.memory_space<hbm>>)
        %add3A_154 = arith.constant 2 : i32
        %add3A_155 = arith.addi %mul3A_82, %add3A_154 : i32
        %mul3A_156 = arith.constant 2 : i32
        %mul3A_157 = arith.muli %mul3A_156, %add3A_155 : i32
        %add3A_158 = arith.constant 0 : i32
        %add3A_159 = arith.addi %mul3A_157, %add3A_158 : i32
        %dma_start3A_160 = arith.constant 0 : i32
        %dma_start3A_161 = arith.constant 0 : i32
        %dma_start3A_162 = tpu.memref_slice %arg6[%dma_start3A_160, %dma_start3A_161] : memref<256x128xf32, #tpu.memory_space<vmem>> -> memref<128x128xf32, #tpu.memory_space<vmem>>
        %dma_start3A_163 = arith.constant 0 : i32
        %dma_start3A_164 = tpu.memref_slice %arg5[%add3A_159, %dma_start3A_163] : memref<50x128xi32, #tpu.memory_space<vmem>> -> memref<1x128xi32, #tpu.memory_space<vmem>>
        %dma_start3A_165 = tpu.memref_squeeze %dma_start3A_164 : memref<1x128xi32, #tpu.memory_space<vmem>> -> memref<128xi32, #tpu.memory_space<vmem>>
        %dma_start3A_166 = arith.constant 0 : i32
        %dma_start3A_167 = arith.constant 0 : i32
        %dma_start3A_168 = tpu.memref_slice %arg2[%dma_start3A_166, %dma_start3A_167] : memref<100000x128xf32, #tpu.memory_space<hbm>> -> memref<100000x128xf32, #tpu.memory_space<hbm>>
        tpu.enqueue_indirect_dma source(%dma_start3A_168 : memref<100000x128xf32, #tpu.memory_space<hbm>>) target(%dma_start3A_162 : memref<128x128xf32, #tpu.memory_space<vmem>>) offsets(%dma_start3A_165 : memref<128xi32, #tpu.memory_space<vmem>>) semaphore(%arg8 : memref<!tpu.dma_semaphore, #tpu.memory_space<semaphore_mem>>)
        %mul3A_169 = arith.constant 2 : i32
        %mul3A_170 = arith.muli %mul3A_169, %add3A_155 : i32
        %add3A_171 = arith.constant 1 : i32
        %add3A_172 = arith.addi %mul3A_170, %add3A_171 : i32
        %dma_start3A_173 = arith.constant 128 : i32
        %dma_start3A_174 = arith.constant 0 : i32
        %dma_start3A_175 = tpu.memref_slice %arg6[%dma_start3A_173, %dma_start3A_174] : memref<256x128xf32, #tpu.memory_space<vmem>> -> memref<128x128xf32, #tpu.memory_space<vmem>>
        %dma_start3A_176 = arith.constant 0 : i32
        %dma_start3A_177 = tpu.memref_slice %arg5[%add3A_172, %dma_start3A_176] : memref<50x128xi32, #tpu.memory_space<vmem>> -> memref<1x128xi32, #tpu.memory_space<vmem>>
        %dma_start3A_178 = tpu.memref_squeeze %dma_start3A_177 : memref<1x128xi32, #tpu.memory_space<vmem>> -> memref<128xi32, #tpu.memory_space<vmem>>
        %dma_start3A_179 = arith.constant 0 : i32
        %dma_start3A_180 = arith.constant 0 : i32
        %dma_start3A_181 = tpu.memref_slice %arg2[%dma_start3A_179, %dma_start3A_180] : memref<100000x128xf32, #tpu.memory_space<hbm>> -> memref<100000x128xf32, #tpu.memory_space<hbm>>
        tpu.enqueue_indirect_dma source(%dma_start3A_181 : memref<100000x128xf32, #tpu.memory_space<hbm>>) target(%dma_start3A_175 : memref<128x128xf32, #tpu.memory_space<vmem>>) offsets(%dma_start3A_178 : memref<128xi32, #tpu.memory_space<vmem>>) semaphore(%arg8 : memref<!tpu.dma_semaphore, #tpu.memory_space<semaphore_mem>>)
      } else {
      }
      %dma_wait3A_114 = arith.constant 0 : i32
      %dma_wait3A_115 = arith.constant 0 : i32
      %dma_wait3A_116 = arith.constant 0 : i32
      %dma_wait3A_117 = tpu.memref_slice %arg7[%dma_wait3A_115, %dma_wait3A_116] : memref<256x128xf32, #tpu.memory_space<vmem>> -> memref<128x128xf32, #tpu.memory_space<vmem>>
      %dma_wait3A_118 = arith.constant 0 : i32
      %dma_wait3A_119 = tpu.memref_slice %arg5[%dma_wait3A_114, %dma_wait3A_118] : memref<50x128xi32, #tpu.memory_space<vmem>> -> memref<1x128xi32, #tpu.memory_space<vmem>>
      %dma_wait3A_120 = tpu.memref_squeeze %dma_wait3A_119 : memref<1x128xi32, #tpu.memory_space<vmem>> -> memref<128xi32, #tpu.memory_space<vmem>>
      %dma_wait3A_121 = arith.constant 0 : i32
      %dma_wait3A_122 = arith.constant 0 : i32
      %dma_wait3A_123 = tpu.memref_slice %arg2[%dma_wait3A_121, %dma_wait3A_122] : memref<100000x128xf32, #tpu.memory_space<hbm>> -> memref<100000x128xf32, #tpu.memory_space<hbm>>
      tpu.wait_indirect_dma semaphore(%arg9 : memref<!tpu.dma_semaphore, #tpu.memory_space<semaphore_mem>>) src(%dma_wait3A_123 : memref<100000x128xf32, #tpu.memory_space<hbm>>) dst(%dma_wait3A_117 : memref<128x128xf32, #tpu.memory_space<vmem>>)
      %dma_wait3A_124 = arith.constant 0 : i32
      %dma_wait3A_125 = arith.constant 128 : i32
      %dma_wait3A_126 = arith.constant 0 : i32
      %dma_wait3A_127 = tpu.memref_slice %arg7[%dma_wait3A_125, %dma_wait3A_126] : memref<256x128xf32, #tpu.memory_space<vmem>> -> memref<128x128xf32, #tpu.memory_space<vmem>>
      %dma_wait3A_128 = arith.constant 0 : i32
      %dma_wait3A_129 = tpu.memref_slice %arg5[%dma_wait3A_124, %dma_wait3A_128] : memref<50x128xi32, #tpu.memory_space<vmem>> -> memref<1x128xi32, #tpu.memory_space<vmem>>
      %dma_wait3A_130 = tpu.memref_squeeze %dma_wait3A_129 : memref<1x128xi32, #tpu.memory_space<vmem>> -> memref<128xi32, #tpu.memory_space<vmem>>
      %dma_wait3A_131 = arith.constant 0 : i32
      %dma_wait3A_132 = arith.constant 0 : i32
      %dma_wait3A_133 = tpu.memref_slice %arg2[%dma_wait3A_131, %dma_wait3A_132] : memref<100000x128xf32, #tpu.memory_space<hbm>> -> memref<100000x128xf32, #tpu.memory_space<hbm>>
      tpu.wait_indirect_dma semaphore(%arg9 : memref<!tpu.dma_semaphore, #tpu.memory_space<semaphore_mem>>) src(%dma_wait3A_133 : memref<100000x128xf32, #tpu.memory_space<hbm>>) dst(%dma_wait3A_127 : memref<128x128xf32, #tpu.memory_space<vmem>>)
      %add3A_134 = arith.constant 1 : i32
      %add3A_135 = arith.addi %mul3A_82, %add3A_134 : i32
      %mul3A_136 = arith.constant 256 : i32
      %mul3A_137 = arith.muli %add3A_135, %mul3A_136 : i32
      %add3A_138 = arith.addi %mul3A_2, %mul3A_137 : i32
      %dma_start3A_139 = arith.constant 0 : i32
      %dma_start3A_140 = tpu.memref_slice %arg4[%add3A_138, %dma_start3A_139] : memref<204800x128xf32, #tpu.memory_space<hbm>> -> memref<256x128xf32, #tpu.memory_space<hbm>>
      %dma_start3A_141 = arith.constant 0 : i32
      %dma_start3A_142 = tpu.memref_slice %arg4[%add3A_138, %dma_start3A_141] : memref<204800x128xf32, #tpu.memory_space<hbm>> -> memref<256x128xf32, #tpu.memory_space<hbm>>
      tpu.enqueue_dma source(%arg7 : memref<256x128xf32, #tpu.memory_space<vmem>>) target(%dma_start3A_142 : memref<256x128xf32, #tpu.memory_space<hbm>>) target_semaphore(%arg11 : memref<!tpu.dma_semaphore, #tpu.memory_space<semaphore_mem>>)
      %add3A_143 = arith.constant 3 : i32
      %add3A_144 = arith.addi %mul3A_82, %add3A_143 : i32
      %lt3A_145 = arith.constant 25 : i32
      %lt3A_146 = arith.cmpi slt, %add3A_144, %lt3A_145 : i32
      %convert_element_type3A_147 = arith.extui %lt3A_146 : i1 to i32
      %cond3A_148 = arith.constant 0 : i32
      %cond3A_149 = arith.cmpi ne, %convert_element_type3A_147, %cond3A_148 : i32
      scf.if %cond3A_149 {
        %dma_wait3A_150 = arith.constant 0 : i32
        %dma_wait3A_151 = tpu.memref_slice %arg4[%mul3A_2, %dma_wait3A_150] : memref<204800x128xf32, #tpu.memory_space<hbm>> -> memref<256x128xf32, #tpu.memory_space<hbm>>
        %dma_wait3A_152 = arith.constant 0 : i32
        %dma_wait3A_153 = tpu.memref_slice %arg4[%mul3A_2, %dma_wait3A_152] : memref<204800x128xf32, #tpu.memory_space<hbm>> -> memref<256x128xf32, #tpu.memory_space<hbm>>
        tpu.wait_dma2 semaphore(%arg11 : memref<!tpu.dma_semaphore, #tpu.memory_space<semaphore_mem>>) src(%arg7 : memref<256x128xf32, #tpu.memory_space<vmem>>) dst(%dma_wait3A_153 : memref<256x128xf32, #tpu.memory_space<hbm>>)
        %add3A_154 = arith.constant 3 : i32
        %add3A_155 = arith.addi %mul3A_82, %add3A_154 : i32
        %mul3A_156 = arith.constant 2 : i32
        %mul3A_157 = arith.muli %mul3A_156, %add3A_155 : i32
        %add3A_158 = arith.constant 0 : i32
        %add3A_159 = arith.addi %mul3A_157, %add3A_158 : i32
        %dma_start3A_160 = arith.constant 0 : i32
        %dma_start3A_161 = arith.constant 0 : i32
        %dma_start3A_162 = tpu.memref_slice %arg7[%dma_start3A_160, %dma_start3A_161] : memref<256x128xf32, #tpu.memory_space<vmem>> -> memref<128x128xf32, #tpu.memory_space<vmem>>
        %dma_start3A_163 = arith.constant 0 : i32
        %dma_start3A_164 = tpu.memref_slice %arg5[%add3A_159, %dma_start3A_163] : memref<50x128xi32, #tpu.memory_space<vmem>> -> memref<1x128xi32, #tpu.memory_space<vmem>>
        %dma_start3A_165 = tpu.memref_squeeze %dma_start3A_164 : memref<1x128xi32, #tpu.memory_space<vmem>> -> memref<128xi32, #tpu.memory_space<vmem>>
        %dma_start3A_166 = arith.constant 0 : i32
        %dma_start3A_167 = arith.constant 0 : i32
        %dma_start3A_168 = tpu.memref_slice %arg2[%dma_start3A_166, %dma_start3A_167] : memref<100000x128xf32, #tpu.memory_space<hbm>> -> memref<100000x128xf32, #tpu.memory_space<hbm>>
        tpu.enqueue_indirect_dma source(%dma_start3A_168 : memref<100000x128xf32, #tpu.memory_space<hbm>>) target(%dma_start3A_162 : memref<128x128xf32, #tpu.memory_space<vmem>>) offsets(%dma_start3A_165 : memref<128xi32, #tpu.memory_space<vmem>>) semaphore(%arg9 : memref<!tpu.dma_semaphore, #tpu.memory_space<semaphore_mem>>)
        %mul3A_169 = arith.constant 2 : i32
        %mul3A_170 = arith.muli %mul3A_169, %add3A_155 : i32
        %add3A_171 = arith.constant 1 : i32
        %add3A_172 = arith.addi %mul3A_170, %add3A_171 : i32
        %dma_start3A_173 = arith.constant 128 : i32
        %dma_start3A_174 = arith.constant 0 : i32
        %dma_start3A_175 = tpu.memref_slice %arg7[%dma_start3A_173, %dma_start3A_174] : memref<256x128xf32, #tpu.memory_space<vmem>> -> memref<128x128xf32, #tpu.memory_space<vmem>>
        %dma_start3A_176 = arith.constant 0 : i32
        %dma_start3A_177 = tpu.memref_slice %arg5[%add3A_172, %dma_start3A_176] : memref<50x128xi32, #tpu.memory_space<vmem>> -> memref<1x128xi32, #tpu.memory_space<vmem>>
        %dma_start3A_178 = tpu.memref_squeeze %dma_start3A_177 : memref<1x128xi32, #tpu.memory_space<vmem>> -> memref<128xi32, #tpu.memory_space<vmem>>
        %dma_start3A_179 = arith.constant 0 : i32
        %dma_start3A_180 = arith.constant 0 : i32
        %dma_start3A_181 = tpu.memref_slice %arg2[%dma_start3A_179, %dma_start3A_180] : memref<100000x128xf32, #tpu.memory_space<hbm>> -> memref<100000x128xf32, #tpu.memory_space<hbm>>
        tpu.enqueue_indirect_dma source(%dma_start3A_181 : memref<100000x128xf32, #tpu.memory_space<hbm>>) target(%dma_start3A_175 : memref<128x128xf32, #tpu.memory_space<vmem>>) offsets(%dma_start3A_178 : memref<128xi32, #tpu.memory_space<vmem>>) semaphore(%arg9 : memref<!tpu.dma_semaphore, #tpu.memory_space<semaphore_mem>>)
      } else {
      }
    }
    %scan3A_46 = arith.constant 12 : i32
    %dma_wait3A = arith.constant 0 : i32
    %dma_wait3A_47 = arith.constant 0 : i32
    %dma_wait3A_48 = arith.constant 0 : i32
    %dma_wait3A_49 = tpu.memref_slice %arg6[%dma_wait3A_47, %dma_wait3A_48] : memref<256x128xf32, #tpu.memory_space<vmem>> -> memref<128x128xf32, #tpu.memory_space<vmem>>
    %dma_wait3A_50 = arith.constant 0 : i32
    %dma_wait3A_51 = tpu.memref_slice %arg5[%dma_wait3A, %dma_wait3A_50] : memref<50x128xi32, #tpu.memory_space<vmem>> -> memref<1x128xi32, #tpu.memory_space<vmem>>
    %dma_wait3A_52 = tpu.memref_squeeze %dma_wait3A_51 : memref<1x128xi32, #tpu.memory_space<vmem>> -> memref<128xi32, #tpu.memory_space<vmem>>
    %dma_wait3A_53 = arith.constant 0 : i32
    %dma_wait3A_54 = arith.constant 0 : i32
    %dma_wait3A_55 = tpu.memref_slice %arg2[%dma_wait3A_53, %dma_wait3A_54] : memref<100000x128xf32, #tpu.memory_space<hbm>> -> memref<100000x128xf32, #tpu.memory_space<hbm>>
    tpu.wait_indirect_dma semaphore(%arg8 : memref<!tpu.dma_semaphore, #tpu.memory_space<semaphore_mem>>) src(%dma_wait3A_55 : memref<100000x128xf32, #tpu.memory_space<hbm>>) dst(%dma_wait3A_49 : memref<128x128xf32, #tpu.memory_space<vmem>>)
    %dma_wait3A_56 = arith.constant 0 : i32
    %dma_wait3A_57 = arith.constant 128 : i32
    %dma_wait3A_58 = arith.constant 0 : i32
    %dma_wait3A_59 = tpu.memref_slice %arg6[%dma_wait3A_57, %dma_wait3A_58] : memref<256x128xf32, #tpu.memory_space<vmem>> -> memref<128x128xf32, #tpu.memory_space<vmem>>
    %dma_wait3A_60 = arith.constant 0 : i32
    %dma_wait3A_61 = tpu.memref_slice %arg5[%dma_wait3A_56, %dma_wait3A_60] : memref<50x128xi32, #tpu.memory_space<vmem>> -> memref<1x128xi32, #tpu.memory_space<vmem>>
    %dma_wait3A_62 = tpu.memref_squeeze %dma_wait3A_61 : memref<1x128xi32, #tpu.memory_space<vmem>> -> memref<128xi32, #tpu.memory_space<vmem>>
    %dma_wait3A_63 = arith.constant 0 : i32
    %dma_wait3A_64 = arith.constant 0 : i32
    %dma_wait3A_65 = tpu.memref_slice %arg2[%dma_wait3A_63, %dma_wait3A_64] : memref<100000x128xf32, #tpu.memory_space<hbm>> -> memref<100000x128xf32, #tpu.memory_space<hbm>>
    tpu.wait_indirect_dma semaphore(%arg8 : memref<!tpu.dma_semaphore, #tpu.memory_space<semaphore_mem>>) src(%dma_wait3A_65 : memref<100000x128xf32, #tpu.memory_space<hbm>>) dst(%dma_wait3A_59 : memref<128x128xf32, #tpu.memory_space<vmem>>)
    %add3A_66 = arith.constant 6144 : i32
    %add3A_67 = arith.addi %mul3A_2, %add3A_66 : i32
    %dma_start3A_68 = arith.constant 0 : i32
    %dma_start3A_69 = tpu.memref_slice %arg4[%add3A_67, %dma_start3A_68] : memref<204800x128xf32, #tpu.memory_space<hbm>> -> memref<256x128xf32, #tpu.memory_space<hbm>>
    %dma_start3A_70 = arith.constant 0 : i32
    %dma_start3A_71 = tpu.memref_slice %arg4[%add3A_67, %dma_start3A_70] : memref<204800x128xf32, #tpu.memory_space<hbm>> -> memref<256x128xf32, #tpu.memory_space<hbm>>
    tpu.enqueue_dma source(%arg6 : memref<256x128xf32, #tpu.memory_space<vmem>>) target(%dma_start3A_71 : memref<256x128xf32, #tpu.memory_space<hbm>>) target_semaphore(%arg10 : memref<!tpu.dma_semaphore, #tpu.memory_space<semaphore_mem>>)
    %dma_wait3A_72 = arith.constant 0 : i32
    %dma_wait3A_73 = tpu.memref_slice %arg4[%mul3A_2, %dma_wait3A_72] : memref<204800x128xf32, #tpu.memory_space<hbm>> -> memref<256x128xf32, #tpu.memory_space<hbm>>
    %dma_wait3A_74 = arith.constant 0 : i32
    %dma_wait3A_75 = tpu.memref_slice %arg4[%mul3A_2, %dma_wait3A_74] : memref<204800x128xf32, #tpu.memory_space<hbm>> -> memref<256x128xf32, #tpu.memory_space<hbm>>
    tpu.wait_dma2 semaphore(%arg10 : memref<!tpu.dma_semaphore, #tpu.memory_space<semaphore_mem>>) src(%arg6 : memref<256x128xf32, #tpu.memory_space<vmem>>) dst(%dma_wait3A_75 : memref<256x128xf32, #tpu.memory_space<hbm>>)
    %dma_wait3A_76 = arith.constant 0 : i32
    %dma_wait3A_77 = tpu.memref_slice %arg4[%mul3A_2, %dma_wait3A_76] : memref<204800x128xf32, #tpu.memory_space<hbm>> -> memref<256x128xf32, #tpu.memory_space<hbm>>
    %dma_wait3A_78 = arith.constant 0 : i32
    %dma_wait3A_79 = tpu.memref_slice %arg4[%mul3A_2, %dma_wait3A_78] : memref<204800x128xf32, #tpu.memory_space<hbm>> -> memref<256x128xf32, #tpu.memory_space<hbm>>
    tpu.wait_dma2 semaphore(%arg11 : memref<!tpu.dma_semaphore, #tpu.memory_space<semaphore_mem>>) src(%arg7 : memref<256x128xf32, #tpu.memory_space<vmem>>) dst(%dma_wait3A_79 : memref<256x128xf32, #tpu.memory_space<hbm>>)
    return
  }
}

</mosaic_0001>

<sc_bundles>
// kernel: kernel.3.cloned.1.call-start
scs
__scs_entry_jumppad:
0x0: {  	(pc) =	sbr.rel $0x88, $3  }
0x1: {  	(tag) =	ssettag $0x0;
	lr =	simm.s32 $0x1  }
0x2: {  	[smem:$0x3F9F] =	sst lr;
	_ =	strace $0xD0000000  }
0x3: {  	_ = 	snop  }
0x4: {  	_ = 	snop  }
0x5: {  	_ = 	snop  }
0x6: {  	_ = 	snop  }
0x7: {  	_ = 	snop  }
__scs_overlays_trampoline_lowered:
0x8: {  	[smem:$0x3FAE] =	sst s0  }
0x9: {  	[smem:$0x3FAF] =	sst s1  }
0xa: {  	[smem:$0x3FB0] =	sst s2  }
0xb: {  	[smem:$0x3FB1] =	sst s3  }
0xc: {  	[smem:$0x3FB2] =	sst s4  }
0xd: {  	[smem:$0x3FB3] =	sst s5  }
0xe: {  	[smem:$0x3FB4] =	sst s6  }
0xf: {  	[smem:$0x3FB5] =	sst s7  }
0x10: {  	[smem:$0x3FB6] =	sst s8  }
0x11: {  	[smem:$0x3FB7] =	sst s9;
	s0 =	simm.s32 @!p0 $0x0  }
0x12: {  	s1 =	sld [smem:$0x3F9D];
	s0 =	simm.s32 @p0 $0x1  }
0x13: {  	[smem:$0x3FB8] =	sst s0;
	s0 =	simm.s32 @!p1 $0x0  }
0x14: {  	s2 =	sld [smem:$0x3F9C];
	s0 =	simm.s32 @p1 $0x1  }
0x15: {  	[smem:$0x3FB9] =	sst s0;
	s0 =	simm.s32 @!p2 $0x0  }
0x16: {  	s3 =	sld [smem:$0x3FDB];
	s0 =	simm.s32 @p2 $0x1  }
0x17: {  	s4 =	simm.s32 $0x1BF5;
	[smem:$0x3FBB] =	sst s0  }
0x18: {  	s0 =	sld [smem:$0x3F9E];
	_ =	swait.ge [sflag:s4], $0x0  }
0x19: {  	s7 =	sld [smem:$0x3F9F]  }
0x1a: {  	s8 =	sadd.s32 $0xFFFFE003, lr  }
0x1b: {  	s9 =	sadd.s32 $0xFFFFFEF7, lr;
	s5 =	simm.s32 $0xFFFFFFFF;
	p2 =	slt.u32 s8, $0xFFFFF086  }
0x1c: {  	p1 =	slt.u32 s9, $0xF7A;
	s5 =	simm.s32 @!p2 $0x0  }
0x1d: {  	s5 =	simm.s32 @p1 $0x1;
	p0 =	seq.s32 s7, s2  }
0x1e: {  	s7 =	smul.u32 @!p0 $0xF7A, s2;
	p2 =	seq.s32 @!p0 s5, $0x0  }
0x1f: {  	s9 =	smul.u32 $0xF7A, s1;
	s8 =	simm.s32 @!p0 $0x1BF5;
	p2 =	por !p2, p0  }
0x20: {  	[sflag:s8] =	ssyncset.s32 @!p0 $0xFFFFF086;
	s6 =	sadd.s32 @!p0 s3, s7;
	s7 =	simm.s32 @!p0 $0x108  }
0x21: {  	s3 =	sadd.s32 s3, s9;
	s6 =	sadd.s32 @!p0 $0x88, s6;
	s7 =	simm.s32 @p2 $0x1082  }
0x22: {  	[simem:s7], [sflag:s8] =	dma.local @!p0 [hbm:s6], $0xF7A  }
0x23: {  	s9 =	sor.u32 $0xD0000000, s2;
	s6 =	simm.s32 $0x108;
	_ =	swait.ge @!p0 [sflag:s8], $0x0  }
0x24: {  	s3 =	sadd.s32 $0x88, s3;
	s6 =	simm.s32 @!p1 $0x1082;
	[sflag:s4] =	ssyncset.s32 $0xFFFFF086  }
0x25: {  	[simem:s6], [sflag:s4] =	dma.local [hbm:s3], $0xF7A  }
0x26: {  	[smem:$0x3F9F] =	sst s1;
	(tag) =	ssettag s2;
	_ =	strace s9  }
0x27: {  	s1 =	sld [smem:$0x3FAF]  }
0x28: {  	s2 =	sld [smem:$0x3FB0]  }
0x29: {  	s4 =	sld [smem:$0x3FB2]  }
0x2a: {  	p0 =	seq.s32 s5, $0x0;
	s5 =	sld [smem:$0x3FB3]  }
0x2b: {  	s6 =	sld [smem:$0x3FB4]  }
0x2c: {  	s7 =	sld [smem:$0x3FB5]  }
0x2d: {  	s3 =	simm.s32 $0x108;
	s8 =	sld [smem:$0x3FB6]  }
0x2e: {  	s3 =	simm.s32 @!p0 $0x1082;
	s9 =	sld [smem:$0x3FB7]  }
0x2f: {  	lr =	sadd.s32 s0, s3;
	s0 =	sld [smem:$0x3FAE]  }
0x30: {  	s3 =	sld [smem:$0x3FB1]  }
0x31: {  	[smem:$0x3FBA] =	sst s10  }
0x32: {  	s10 =	sld [smem:$0x3FB8];
	_ =	sdelay $0x3  }
0x33: {  	p0 =	seq.s32 s10, $0x1;
	s10 =	sld [smem:$0x3FBA];
	_ =	sdelay $0x3  }
0x34: {  	[smem:$0x3FBA] =	sst s10  }
0x35: {  	s10 =	sld [smem:$0x3FB9];
	_ =	sdelay $0x3  }
0x36: {  	p1 =	seq.s32 s10, $0x1;
	s10 =	sld [smem:$0x3FBA];
	_ =	sdelay $0x3  }
0x37: {  	[smem:$0x3FBA] =	sst s10  }
0x38: {  	s10 =	sld [smem:$0x3FBB]  }
0x39: {  	_ = 	snop;
	(pc) =	sbr.ind lr, $3  }
0x3a: {  	_ = 	snop  }
0x3b: {  	_ = 	snop  }
0x3c: {  	p2 =	seq.s32 s10, $0x1;
	s10 =	sld [smem:$0x3FBA]  }
0x3d: {  	_ =	shalt  }
0x3e: {  	_ =	shalt  }
0x3f: {  	_ =	shalt  }
0x40: {  	_ =	shalt  }
0x41: {  	_ =	shalt  }
0x42: {  	_ =	shalt  }
0x43: {  	_ =	shalt  }
0x44: {  	_ =	shalt  }
0x45: {  	_ =	shalt  }
0x46: {  	_ =	shalt  }
0x47: {  	_ =	shalt  }
0x48: {  	_ =	shalt  }
0x49: {  	_ =	shalt  }
0x4a: {  	_ =	shalt  }
0x4b: {  	_ =	shalt  }
0x4c: {  	_ =	shalt  }
0x4d: {  	_ =	shalt  }
0x4e: {  	_ =	shalt  }
0x4f: {  	_ =	shalt  }
0x50: {  	_ =	shalt  }
0x51: {  	_ =	shalt  }
0x52: {  	_ =	shalt  }
0x53: {  	_ =	shalt  }
0x54: {  	_ =	shalt  }
0x55: {  	_ =	shalt  }
0x56: {  	_ =	shalt  }
0x57: {  	_ =	shalt  }
0x58: {  	_ =	shalt  }
0x59: {  	_ =	shalt  }
0x5a: {  	_ =	shalt  }
0x5b: {  	_ =	shalt  }
0x5c: {  	_ =	shalt  }
0x5d: {  	_ =	shalt  }
0x5e: {  	_ =	shalt  }
0x5f: {  	_ =	shalt  }
0x60: {  	_ =	shalt  }
0x61: {  	_ =	shalt  }
0x62: {  	_ =	shalt  }
0x63: {  	_ =	shalt  }
0x64: {  	_ =	shalt  }
0x65: {  	_ =	shalt  }
0x66: {  	_ =	shalt  }
0x67: {  	_ =	shalt  }
0x68: {  	_ =	shalt  }
0x69: {  	_ =	shalt  }
0x6a: {  	_ =	shalt  }
0x6b: {  	_ =	shalt  }
0x6c: {  	_ =	shalt  }
0x6d: {  	_ =	shalt  }
0x6e: {  	_ =	shalt  }
0x6f: {  	_ =	shalt  }
0x70: {  	_ =	shalt  }
0x71: {  	_ =	shalt  }
0x72: {  	_ =	shalt  }
0x73: {  	_ =	shalt  }
0x74: {  	_ =	shalt  }
0x75: {  	_ =	shalt  }
0x76: {  	_ =	shalt  }
0x77: {  	_ =	shalt  }
0x78: {  	_ =	shalt  }
0x79: {  	_ =	shalt  }
0x7a: {  	_ =	shalt  }
0x7b: {  	_ =	shalt  }
0x7c: {  	_ =	shalt  }
0x7d: {  	_ =	shalt  }
0x7e: {  	_ =	shalt  }
0x7f: {  	_ =	shalt  }
0x80: {  	_ =	shalt  }
0x81: {  	_ =	shalt  }
0x82: {  	_ =	shalt  }
0x83: {  	_ =	shalt  }
0x84: {  	_ =	shalt  }
0x85: {  	_ =	shalt  }
0x86: {  	_ =	shalt  }
0x87: {  	_ =	shalt  }
.Lfunc_end0:
.L_simem_size_0:
called_computation_lowered:
.L_overlay_start_0:
0x88: {  	s2 =	sld [smem:$0x3FD9]  }
0x89: {  	s3 =	sld [smem:$0x3FFE];
	_ =	sdelay $0x1  }
0x8a: {  	s1 =	srdreg.scid  }
0x8b: {  	s0 =	sand.u32 $0x1, s1  }
0x8c: {  	s17 =	sshll.u32 s0, $0xA;
	s2 =	sadd.s32 s3, s2  }
0x8d: {  	s2 =	sadd.s32 s2, s17  }
0x8e: {  	[smem:$0x3FC6] =	sst s2  }
0x8f: {  	_ = 	snop  }
0x90: {  	s2 =	sld [smem:$0x3FC8]  }
0x91: {  	s18 =	sld [smem:$0x3FD0];
	(tm) =	ssettm $0x1  }
0x92: {  	s4 =	sld [smem:$0x3FFB];
	_ =	sdelay $0x3  }
0x93: {  	_ =	strace s4  }
0x94: {  	s4 =	sld [smem:$0x3FFC];
	_ =	sdelay $0x3  }
0x95: {  	_ =	strace s4  }
0x96: {  	s4 =	sld [smem:$0x3FFD];
	_ =	sdelay $0x3  }
0x97: {  	_ =	strace s4  }
0x98: {  	_ =	strace $0x8FFFFFFF  }
0x99: {  	s19 =	sld [smem:$0x3FDB];
	_ =	sdelay $0x1  }
0x9a: {  	s5 =	simm.s32 $_scs_section_size  }
0x9b: {  	s6 =	simm.s32 $_size__tile_overlayer_lowered;
	s7 =	simm.s32 $_tile_overlayer_lowered  }
0x9c: {  	s22 =	simm.s32 $0x1BFF;
	s21 =	sshll.u32 s7, $0x1;
	s4 =	sadd.s32 s5, s19  }
0x9d: {  	s8 =	simm.s32 $0x0;
	s20 =	sshll.u32 s6, $0x1;
	s6 =	sadd.s32 s21, s4  }
0x9e: {  	[timem:s8], [sflag:s22] =	dma.local [hbm:s6], s20  }
0x9f: {  	_ =	swait.ge [sflag:s22], s20  }
0xa0: {  	s5 =	ssub.s32 $0x0, s20;
	[sflag:s22] =	ssyncset.done $0x0  }
0xa1: {  	[sflag:s22] =	ssyncadd.s32 s5;
	_ =	sdelay $0x1  }
0xa2: {  	s23 =	simm.s32 $0x1B8B  }
0xa3: {  	_ =	swait.ge [sflag:s23], $0x1  }
0xa4: {  	[sflag:s23] =	ssyncset.done $0x0  }
0xa5: {  	s25 =	simm.s32 $0x1B8E;
	s24 =	sld [smem:$0x3FFE];
	[sflag:s23] =	ssyncadd.s32 $0xFFFFFFFF  }
0xa6: {  	s26 =	simm.s32 $execute0_lowered;
	[smem:$0x3FD2] =	sst s25  }
0xa7: {  	s6 =	sshll.u32 s26, $0x1;
	_ =	strace $0x80000046;
	[dreg:$0x1] =	wrdreg $0xFFFFFFFF  }
0xa8: {  	s28 =	simm.s32 $_size_execute0_lowered;
	s4 =	sadd.s32 s4, s6;
	[dreg:$0x0] =	wrdreg $0x0  }
0xa9: {  	s6 =	sshll.u32 s28, $0x1;
	[dreg:$0x2] =	wrdreg s4  }
0xaa: {  	[dreg:$0x3] =	wrdreg s6  }
0xab: {  	[dreg:$0x4] =	wrdreg $0xC0  }
0xac: {  	_ =	task [dreg:s8], $0x5FFFF  }
0xad: {  	[dreg:$0x1] =	wrdreg $0xFFFFFFFF  }
0xae: {  	[dreg:$0x0] =	wrdreg $0x60  }
0xaf: {  	[dreg:$0x2] =	wrdreg s2  }
0xb0: {  	[dreg:$0x3] =	wrdreg s24  }
0xb1: {  	[dreg:$0x4] =	wrdreg s18  }
0xb2: {  	[dreg:$0x5] =	wrdreg $0x9  }
0xb3: {  	_ =	task.clear_ibuf [dreg:s8], $0x6FFFF;
	_ =	strace $0x90000046  }
0xb4: {  	s29 =	simm.s32 $0x9;
	_ =	strace $0x80000048  }
0xb5: {  	_ =	swait.ge [sflag:s29], $0x1  }
0xb6: {  	[sflag:s29] =	ssyncadd.s32 $0xFFFFFFFF  }
0xb7: {  	_ =	strace $0x90000048  }
0xb8: {  	_ =	sfence  }
0xb9: {  	s30 =	sld [smem:$0x0];
	_ =	sdelay $0x2  }
0xba: {  	s31 =	sshll.u32 s1, $0xD;
	s1 =	sshrl.u32 s1, $0x2  }
0xbb: {  	s3 =	sand.u32 $0x4000, s31;
	s1 =	sadd.s32 s1, s30  }
0xbc: {  	s0 =	sor.u32 s3, s0;
	s1 =	sshll.u32 s1, $0x11  }
0xbd: {  	s0 =	sor.u32 s1, s0  }
0xbe: {  	s0 =	sadd.s32 $0x8F2B, s0  }
0xbf: {  	[sflag:s0] =	ssyncadd.remote.s32 $0x1  }
0xc0: {  	_ =	sfence.sel $0xFFFF  }
0xc1: {  	[dreg:$0x0] =	wrdreg $0xFFFFFFFF;
	(pc) =	sbr.abs _section_cstart, $3  }
0xc2: {  	[dreg:$0x1] =	wrdreg $0xFFFFFFFF  }
0xc3: {  	_ =	task.clear_ibuf [dreg:s8], $0x2FFFF;
	_ =	strace $0x9FFFFFFF  }
0xc4: {  	(tm) =	ssettm $0x7FFFFFFF  }
0xc5: {  	_ =	shalt  }
tec
execute0_lowered:
.L_overlay_start_1:
0x0: {  	(tag) =	ssettag $0x1  }
0x1: {  	s1 =	rddreg [dreg:$0x0];
	s2 =	srdreg.scid  }
0x2: {  	s0 =	stileid.u32;
	s4 =	rddreg [dreg:$0x1]  }
0x3: {  	s10 =	rddreg [dreg:$0x2];
	s3 =	simm.s32 $0x0;
	s15 =	simm.s32 $0x100  }
0x4: {  	s16 =	simm.s32 $0x9C00;
	s17 =	simm.s32 $0x180;
	s18 =	simm.s32 $0xDC00  }
0x5: {  	s19 =	simm.s32 $0x1;
	s20 =	simm.s32 $0x3;
	s12 =	smul.u32 $0x32000, s0  }
0x6: {  	s21 =	simm.s32 $0x2;
	s7 =	sand.u32 $0x1, s2;
	s28 =	smul.u32 $0x190000, s0  }
0x7: {  	s22 =	simm.s32 $0x4;
	s23 =	sshll.u32 s0, $0x1;
	s13 =	smul.u32 $0xC8000, s7  }
0x8: {  	[smem:$0x7FF] =	sst s3;
	s5 =	sor.u32 s7, s23;
	s14 =	smul.u32 $0x19000, s7  }
0x9: {  	s2 =	rddreg [dreg:$0x3];
	_ =	strace $0x80000047;
	s6 =	smul.u32 $0x380, s5  }
0xa: {  	s9 =	ssub.s32 $0x2, s7;
	s23 =	simm.s32 $0x1800;
	s8 =	smul.u32 $0xC8000, s5  }
0xb: {  	s11 =	smul.u32 $0x19000, s5;
	s24 =	sshrl.u32 s9, $0x1;
	s30 =	sadd.s32 s12, s10  }
0xc: {  	s12 =	simm.s32 $0x80;
	s25 =	ssub.s32 s9, s24;
	s9 =	sadd.s32 s14, s30  }
0xd: {  	s14 =	simm.s32 $0x5C00;
	s24 =	simm.s32 $0x1880;
	s4 =	sadd.s32 s6, s4  }
0xe: {  	s26 =	sshrl.u32 s8, $0x3;
	s6 =	smax.u32 s25, $0x1;
	s8 =	sadd.s32 s13, s28  }
0xf: {  	s11 =	sadd.s32 s11, s10;
	s9 =	sadd.s32 $0x1000, s9;
	s13 =	simm.s32 $0x1C00  }
0x10: {  	s25 =	simm.s32 $0x0;
	s4 =	sadd.s32 $0x400, s4;
	s29 =	sadd.s32 s10, s26  }
0x11: {  	s31 =	sshrl.u32 s8, $0x3;
	s8 =	sadd.s32 $0x17000, s11;
	s11 =	simm.s32 $0x5  }
0x12: {  	s5 =	sadd.s32 $0x18000, s29;
	s7 =	sadd.s32 $0x16000, s29;
	s10 =	sadd.s32 s31, s10  }
.LBB2_1:
0x13: {  	[tilespmem:s3], [sflag:$0x5] =	stream.linear.gather [hbm4b:s4+s3], $0x1900, $0x38;
	[tilespmem:$0x11C00] =	vst v63  }
0x14: {  	_ =	swait.ge [sflag:s11], $0x1900  }
0x15: {  	[sflag:s11] =	ssyncset.done $0x0  }
0x16: {  	[sflag:s11] =	ssyncadd.s32 $0xFFFFE700  }
0x17: {  	[tilespmem:s13], [sflag:$0x1] =	stream.indirect.gather [hbm4b:s1+s12], $0x80, s3, s12, $0xb8;
	[tilespmem:$0x11C00] =	vst v63  }
0x18: {  	_ = 	snop  }
0x19: {  	[tilespmem:s14], [sflag:$0x1] =	stream.indirect.gather [hbm4b:s1+s12], $0x80, s12, s12, $0xb8;
	[tilespmem:$0x11C00] =	vst v63  }
0x1a: {  	_ = 	snop  }
0x1b: {  	[tilespmem:s16], [sflag:$0x2] =	stream.indirect.gather [hbm4b:s1+s12], $0x80, s15, s12, $0xb8;
	[tilespmem:$0x11C00] =	vst v63  }
0x1c: {  	_ = 	snop  }
0x1d: {  	[tilespmem:s18], [sflag:$0x2] =	stream.indirect.gather [hbm4b:s1+s12], $0x80, s17, s12, $0xb8;
	[tilespmem:$0x11C00] =	vst v63  }
0x1e: {  	_ =	swait.ge [sflag:s19], $0x4000  }
0x1f: {  	[sflag:s19] =	ssyncset.done $0x0  }
0x20: {  	[sflag:s19] =	ssyncadd.s32 $0xFFFFC000  }
0x21: {  	_ =	swait.ge [sflag:s19], $0x4000  }
0x22: {  	[sflag:s19] =	ssyncset.done $0x0  }
0x23: {  	[sflag:s19] =	ssyncadd.s32 $0xFFFFC000  }
0x24: {  	[hbm4b:s10+s3] =	stream.linear.scatter [tilespmem:s13], [sflag:$0x3], $0x8000, $0x38;
	[tilespmem:$0x11C00] =	vst v63  }
0x25: {  	_ =	swait.ge [sflag:s20], $0x8000  }
0x26: {  	[sflag:s20] =	ssyncset.done $0x0  }
0x27: {  	s26 =	simm.s32 $0x200;
	[sflag:s20] =	ssyncadd.s32 $0xFFFF8000  }
0x28: {  	[tilespmem:s13], [sflag:$0x1] =	stream.indirect.gather [hbm4b:s1+s12], $0x80, s26, s12, $0xb8;
	[tilespmem:$0x11C00] =	vst v63  }
0x29: {  	s31 =	simm.s32 $0x280  }
0x2a: {  	[tilespmem:s14], [sflag:$0x1] =	stream.indirect.gather [hbm4b:s1+s12], $0x80, s31, s12, $0xb8;
	[tilespmem:$0x11C00] =	vst v63  }
0x2b: {  	_ =	swait.ge [sflag:s21], $0x4000  }
0x2c: {  	[sflag:s21] =	ssyncset.done $0x0  }
0x2d: {  	[sflag:s21] =	ssyncadd.s32 $0xFFFFC000  }
0x2e: {  	_ =	swait.ge [sflag:s21], $0x4000  }
0x2f: {  	[sflag:s21] =	ssyncset.done $0x0  }
0x30: {  	[sflag:s21] =	ssyncadd.s32 $0xFFFFC000  }
0x31: {  	[hbm4b:s9+s3] =	stream.linear.scatter [tilespmem:s16], [sflag:$0x4], $0x8000, $0x38;
	[tilespmem:$0x11C00] =	vst v63  }
0x32: {  	s30 =	simm.s32 $0x380;
	_ =	swait.ge [sflag:s22], $0x8000  }
0x33: {  	s28 =	sadd.s32 $0x2000, s9;
	s29 =	sadd.s32 $0x2000, s10;
	[sflag:s22] =	ssyncset.done $0x0  }
0x34: {  	s26 =	simm.s32 $0x800;
	s31 =	simm.s32 $0x300;
	[sflag:s22] =	ssyncadd.s32 $0xFFFF8000  }
0x35: {  	[tilespmem:s16], [sflag:$0x2] =	stream.indirect.gather [hbm4b:s1+s12], $0x80, s31, s12, $0xb8;
	[tilespmem:$0x11C00] =	vst v63  }
.LBB2_2:
0x36: {  	[tilespmem:s18], [sflag:$0x2] =	stream.indirect.gather [hbm4b:s1+s12], $0x80, s30, s12, $0xb8;
	[tilespmem:$0x11C00] =	vst v63  }
0x37: {  	s30 =	smov.u32 s26  }
0x38: {  	p0 =	sne.s32 s26, $0x5000;
	s26 =	sadd.s32 $0x800, s26;
	_ =	swait.ge [sflag:s19], $0x4000  }
0x39: {  	[sflag:s19] =	ssyncset.done $0x0  }
0x3a: {  	[sflag:s19] =	ssyncadd.s32 $0xFFFFC000  }
0x3b: {  	_ =	swait.ge [sflag:s19], $0x4000  }
0x3c: {  	[sflag:s19] =	ssyncset.done $0x0  }
0x3d: {  	[sflag:s19] =	ssyncadd.s32 $0xFFFFC000  }
0x3e: {  	[hbm4b:s29+s3] =	stream.linear.scatter [tilespmem:s13], [sflag:$0x3], $0x8000, $0x38;
	[tilespmem:$0x11C00] =	vst v63  }
0x3f: {  	_ =	swait.ge [sflag:s20], $0x8000  }
0x40: {  	s30 =	sshra.s32 s30, $0x2;
	[sflag:s20] =	ssyncset.done $0x0  }
0x41: {  	s31 =	sadd.s32 $0x200, s30;
	[sflag:s20] =	ssyncadd.s32 $0xFFFF8000  }
0x42: {  	[tilespmem:s13], [sflag:$0x1] =	stream.indirect.gather [hbm4b:s1+s12], $0x80, s31, s12, $0xb8;
	[tilespmem:$0x11C00] =	vst v63  }
0x43: {  	s31 =	sadd.s32 $0x280, s30  }
0x44: {  	[tilespmem:s14], [sflag:$0x1] =	stream.indirect.gather [hbm4b:s1+s12], $0x80, s31, s12, $0xb8;
	[tilespmem:$0x11C00] =	vst v63  }
0x45: {  	_ =	swait.ge [sflag:s21], $0x4000  }
0x46: {  	[sflag:s21] =	ssyncset.done $0x0  }
0x47: {  	[sflag:s21] =	ssyncadd.s32 $0xFFFFC000  }
0x48: {  	_ =	swait.ge [sflag:s21], $0x4000  }
0x49: {  	[sflag:s21] =	ssyncset.done $0x0  }
0x4a: {  	[sflag:s21] =	ssyncadd.s32 $0xFFFFC000  }
0x4b: {  	[hbm4b:s28+s3] =	stream.linear.scatter [tilespmem:s16], [sflag:$0x4], $0x8000, $0x38;
	[tilespmem:$0x11C00] =	vst v63  }
.Ltmp0:
0x4c: {  	_ =	swait.ge [sflag:s22], $0x8000;
	(pc) =	sbr.rel @p0 .LBB2_2-.Ltmp0, $4  }
0x4d: {  	[sflag:s22] =	ssyncset.done $0x0  }
0x4e: {  	s31 =	sadd.s32 $0x300, s30;
	[sflag:s22] =	ssyncadd.s32 $0xFFFF8000  }
0x4f: {  	[tilespmem:s16], [sflag:$0x2] =	stream.indirect.gather [hbm4b:s1+s12], $0x80, s31, s12, $0xb8;
	[tilespmem:$0x11C00] =	vst v63  }
0x50: {  	s29 =	sadd.s32 $0x2000, s29;
	s30 =	sadd.s32 $0x380, s30;
	s28 =	sadd.s32 $0x2000, s28  }
0x51: {  	[tilespmem:s18], [sflag:$0x2] =	stream.indirect.gather [hbm4b:s1+s12], $0x80, s30, s12, $0xb8;
	[tilespmem:$0x11C00] =	vst v63  }
0x52: {  	_ =	swait.ge [sflag:s19], $0x4000  }
0x53: {  	[sflag:s19] =	ssyncset.done $0x0  }
0x54: {  	[sflag:s19] =	ssyncadd.s32 $0xFFFFC000  }
0x55: {  	_ =	swait.ge [sflag:s19], $0x4000  }
0x56: {  	[sflag:s19] =	ssyncset.done $0x0  }
0x57: {  	[sflag:s19] =	ssyncadd.s32 $0xFFFFC000  }
0x58: {  	[hbm4b:s7+s3] =	stream.linear.scatter [tilespmem:s13], [sflag:$0x3], $0x8000, $0x38;
	[tilespmem:$0x11C00] =	vst v63  }
0x59: {  	_ =	swait.ge [sflag:s20], $0x8000  }
0x5a: {  	[sflag:s20] =	ssyncset.done $0x0  }
0x5b: {  	[sflag:s20] =	ssyncadd.s32 $0xFFFF8000  }
0x5c: {  	[tilespmem:s13], [sflag:$0x1] =	stream.indirect.gather [hbm4b:s1+s12], $0x80, s23, s12, $0xb8;
	[tilespmem:$0x11C00] =	vst v63  }
0x5d: {  	_ = 	snop  }
0x5e: {  	[tilespmem:s14], [sflag:$0x1] =	stream.indirect.gather [hbm4b:s1+s12], $0x80, s24, s12, $0xb8;
	[tilespmem:$0x11C00] =	vst v63  }
0x5f: {  	_ =	swait.ge [sflag:s21], $0x4000  }
0x60: {  	[sflag:s21] =	ssyncset.done $0x0  }
0x61: {  	[sflag:s21] =	ssyncadd.s32 $0xFFFFC000  }
0x62: {  	_ =	swait.ge [sflag:s21], $0x4000  }
0x63: {  	[sflag:s21] =	ssyncset.done $0x0  }
0x64: {  	[sflag:s21] =	ssyncadd.s32 $0xFFFFC000  }
0x65: {  	[hbm4b:s8+s3] =	stream.linear.scatter [tilespmem:s16], [sflag:$0x4], $0x8000, $0x38;
	[tilespmem:$0x11C00] =	vst v63  }
0x66: {  	_ =	swait.ge [sflag:s19], $0x4000  }
0x67: {  	[sflag:s19] =	ssyncset.done $0x0  }
0x68: {  	[sflag:s19] =	ssyncadd.s32 $0xFFFFC000  }
0x69: {  	_ =	swait.ge [sflag:s19], $0x4000  }
0x6a: {  	[sflag:s19] =	ssyncset.done $0x0  }
0x6b: {  	s25 =	sadd.s32 $0x1, s25;
	[sflag:s19] =	ssyncadd.s32 $0xFFFFC000  }
0x6c: {  	[hbm4b:s5+s3] =	stream.linear.scatter [tilespmem:s13], [sflag:$0x3], $0x8000, $0x38;
	[tilespmem:$0x11C00] =	vst v63  }
0x6d: {  	p0 =	sne.s32 s25, s6;
	_ =	swait.ge [sflag:s20], $0x8000  }
.Ltmp1:
0x6e: {  	[sflag:s20] =	ssyncset.done $0x0;
	(pc) =	sbr.rel @p0 .LBB2_1-.Ltmp1, $4  }
0x6f: {  	[sflag:s20] =	ssyncadd.s32 $0xFFFF8000  }
0x70: {  	_ =	swait.ge [sflag:s22], $0x8000  }
0x71: {  	[sflag:s22] =	ssyncset.done $0x0  }
0x72: {  	[sflag:s22] =	ssyncadd.s32 $0xFFFF8000  }
0x73: {  	_ =	sfence.sel $0x180000  }
0x74: {  	[bflag:$0x0] =	sbarrier.arrive $0xFFFF  }
0x75: {  	p0 =	sne.s32 s0, $0x0;
	_ =	strace $0x90000047  }
0x76: {  	s0 =	sadd.s32 @!p0 $0x100000, s2;
	[bflag:$0x2] =	sbarrier.arrive $0xFFFF  }
0x77: {  	[sflag:s0] =	ssyncadd.tile.s32 @!p0 $0x1;
	_ =	shalt  }
.Lfunc_end2:
_tile_overlayer_lowered:
.L_overlay_start_2:
0x78: {  	(tag) =	ssettag $0x2  }
0x79: {  	s0 =	rddreg [dreg:$0x0];
	s2 =	stileid.u32  }
0x7a: {  	s1 =	rddreg [dreg:$0x1];
	p0 =	sne.s32 s2, $0x0  }
0x7b: {  	s3 =	rddreg [dreg:$0x2];
	[bflag:$0x3] =	sbarrier.arrive $0xFFFF;
	s2 =	simm.s32 @!p0 $0x1C05  }
0x7c: {  	[timem:s3], [sflag:s2] =	dma.local @!p0 [hbm:s0], s1  }
0x7d: {  	s0 =	simm.s32 @!p0 $0x5  }
0x7e: {  	_ =	swait.ge @!p0 [sflag:s0], s1  }
0x7f: {  	s1 =	ssub.s32 @!p0 $0x0, s1;
	[sflag:s0] =	ssyncset.done @!p0 $0x0  }
0x80: {  	[sflag:s0] =	ssyncadd.s32 @!p0 s1  }
0x81: {  	[bflag:$0x3] =	sbarrier.arrive $0xFFFF  }
0x82: {  	_ =	shalt  }

</sc_bundles>
